<compile_context>
chip_gen: v7x
topology: tpu7x:2x2x1
jax: 0.10.2.dev20260603
libtpu: 0.0.44.dev20260713+nightly
codegen_flags: <defaults>
</compile_context>

<pallas_src>
import functools

import jax
import jax.numpy as jnp
from jax import lax
from jax.experimental import pallas as pl
from jax.experimental.pallas import tpu as pltpu
from jax.experimental.pallas import tpu_sc as plsc

D = 128
B = 4096 * 200
CHUNK = 128
SLOTS = 4

_info = plsc.get_sparse_core_info()
NC, NS = _info.num_cores, _info.num_subcores
NW = NC * NS
B_PER_W = B // NW
N_CHUNKS = B_PER_W // CHUNK
N_GROUPS = N_CHUNKS // SLOTS

_mesh = plsc.VectorSubcoreMesh(core_axis_name="c", subcore_axis_name="s")


@functools.partial(
    pl.kernel,
    mesh=_mesh,
    out_type=jax.ShapeDtypeStruct((B, D), jnp.float32),
    scratch_types=[
        pltpu.VMEM((N_CHUNKS, CHUNK), jnp.int32),
        pltpu.VMEM_SHARED((3, D), jnp.float32),
        pltpu.VMEM((SLOTS, CHUNK, D), jnp.float32),
        pltpu.SemaphoreType.DMA,
        pltpu.SemaphoreType.DMA,
    ],
)
def _emb_lookup(x_hbm, table_hbm, out_hbm, idx_all, table_v, rows, gsem,
                osem):
    wid = lax.axis_index("s") * NC + lax.axis_index("c")
    row_base = wid * B_PER_W
    chunk_base = wid * N_CHUNKS

    pltpu.sync_copy(x_hbm.at[pl.ds(chunk_base, N_CHUNKS)], idx_all)

    @pl.when(lax.axis_index("s") == 0)
    def _():
        pltpu.sync_copy(table_hbm, table_v)

    plsc.subcore_barrier()

    def drain_out():
        pltpu.make_async_copy(
            rows.at[0], out_hbm.at[pl.ds(row_base, CHUNK)], osem).wait()

    def body(g, _):
        copies = []
        for b in range(SLOTS):
            j = g * SLOTS + b

            @pl.when(g >= 1)
            def _():
                drain_out()

            copies.append(pltpu.async_copy(
                table_v.at[idx_all.at[j]], rows.at[b], gsem))
        for b in range(SLOTS):
            j = g * SLOTS + b
            copies[b].wait()
            pltpu.make_async_copy(
                rows.at[b],
                out_hbm.at[pl.ds(row_base + j * CHUNK, CHUNK)],
                osem).start()
        return 0

    lax.fori_loop(0, N_GROUPS, body, 0)

    for _ in range(SLOTS):
        drain_out()


def kernel(x, table):
    x2d = x.reshape(-1, CHUNK).astype(jnp.int32)
    out = _emb_lookup(x2d, table)
    return out.reshape(x.shape + (D,))

# --- scband reference (transcript-rebuilt; emitter-appended) ---
"""Pipeline reference for scband-input-type-embedding-18451179503871 (READ-ONLY COPY).

The authoritative reference and input builder live on the scoring server;
editing this copy changes nothing except your own understanding.
"""

import jax, jax.numpy as jnp
import numpy as np

D_INPUT = 128
BATCH = 4096
HIST = 200
VOCAB = 3


def setup_inputs(seed: int = 0) -> dict:
    key = jax.random.key(seed)
    k1, k2 = jax.random.split(key)
    x = jax.random.randint(k1, (BATCH, HIST), 0, VOCAB)
    table = jax.random.normal(k2, (VOCAB, D_INPUT), dtype=jnp.float32)
    # nn.Embedding(padding_idx=0) zeroes row 0 at init
    table = table.at[0].set(0.0)
    return {"x": x, "table": table}


def reference(x, table):
    # nn.Embedding forward: simple row gather from the lookup table
    return jnp.take(table, x, axis=0)

if __name__ == "__main__":
    import jax
    _d = setup_inputs()
    print(jax.jit(kernel)(*tuple(_d.values())))

</pallas_src>

<mosaic_0001>
#map = affine_map<(d0, d1) -> (0, 0)>
module attributes {stable_mosaic.version = 14 : i64} {
  func.func @_emb_lookup(%arg0: i32, %arg1: i32, %arg2: memref<6400x128xi32, #tpu.memory_space<hbm>>, %arg3: memref<3x128xf32, #tpu.memory_space<hbm>>, %arg4: memref<819200x128xf32, #tpu.memory_space<hbm>>, %arg5: memref<200x128xi32, #tpu.memory_space<vmem>>, %arg6: memref<3x128xf32, #tpu.memory_space<vmem_shared>>, %arg7: memref<4x128x128xf32, #tpu.memory_space<vmem>>, %arg8: memref<!tpu.dma_semaphore, #tpu.memory_space<semaphore_mem>>, %arg9: memref<!tpu.dma_semaphore, #tpu.memory_space<semaphore_mem>>) attributes {dimension_semantics = [#tpu.dimension_semantics<core_parallel>, #tpu.dimension_semantics<subcore_parallel>], iteration_bounds = array<i64: 2, 16>, scalar_prefetch = 0 : i64, scratch_operands = 5 : i64, tpu.core_type = #tpu.core_type<sc_vector_subcore>, window_params = [{transform_indices = #map}, {transform_indices = #map}, {transform_indices = #map}]} {
    %mul3A = arith.constant 2 : i32
    %mul3A_0 = arith.muli %arg1, %mul3A : i32
    %add3A = arith.addi %mul3A_0, %arg0 : i32
    %mul3A_1 = arith.constant 25600 : i32
    %mul3A_2 = arith.muli %add3A, %mul3A_1 : i32
    %mul3A_3 = arith.constant 200 : i32
    %mul3A_4 = arith.muli %add3A, %mul3A_3 : i32
    "tpu.region"() ({
      %run_scoped3A = tpu.sem_alloc : memref<!tpu.dma_semaphore, #tpu.memory_space<semaphore_mem>>
      %dma_start3A = arith.constant 0 : i32
      %dma_start3A_64 = tpu.memref_slice %arg2[%mul3A_4, %dma_start3A] : memref<6400x128xi32, #tpu.memory_space<hbm>> -> memref<200x128xi32, #tpu.memory_space<hbm>>
      %dma_start3A_65 = arith.constant 0 : i32
      %dma_start3A_66 = tpu.memref_slice %arg2[%mul3A_4, %dma_start3A_65] : memref<6400x128xi32, #tpu.memory_space<hbm>> -> memref<200x128xi32, #tpu.memory_space<hbm>>
      tpu.enqueue_dma source(%dma_start3A_66 : memref<200x128xi32, #tpu.memory_space<hbm>>) target(%arg5 : memref<200x128xi32, #tpu.memory_space<vmem>>) target_semaphore(%run_scoped3A : memref<!tpu.dma_semaphore, #tpu.memory_space<semaphore_mem>>)
      %dma_wait3A_67 = arith.constant 0 : i32
      %dma_wait3A_68 = tpu.memref_slice %arg2[%mul3A_4, %dma_wait3A_67] : memref<6400x128xi32, #tpu.memory_space<hbm>> -> memref<200x128xi32, #tpu.memory_space<hbm>>
      %dma_wait3A_69 = arith.constant 0 : i32
      %dma_wait3A_70 = tpu.memref_slice %arg2[%mul3A_4, %dma_wait3A_69] : memref<6400x128xi32, #tpu.memory_space<hbm>> -> memref<200x128xi32, #tpu.memory_space<hbm>>
      tpu.wait_dma2 semaphore(%run_scoped3A : memref<!tpu.dma_semaphore, #tpu.memory_space<semaphore_mem>>) src(%dma_wait3A_70 : memref<200x128xi32, #tpu.memory_space<hbm>>) dst(%arg5 : memref<200x128xi32, #tpu.memory_space<vmem>>)
      tpu.yield
    }) : () -> ()
    %eq3A = arith.constant 0 : i32
    %eq3A_5 = arith.cmpi eq, %arg1, %eq3A : i32
    %convert_element_type3A = arith.extui %eq3A_5 : i1 to i32
    %cond3A = arith.constant 0 : i32
    %cond3A_6 = arith.cmpi ne, %convert_element_type3A, %cond3A : i32
    scf.if %cond3A_6 {
      "tpu.region"() ({
        %run_scoped3A = tpu.sem_alloc : memref<!tpu.dma_semaphore, #tpu.memory_space<semaphore_mem>>
        tpu.enqueue_dma source(%arg3 : memref<3x128xf32, #tpu.memory_space<hbm>>) target(%arg6 : memref<3x128xf32, #tpu.memory_space<vmem_shared>>) target_semaphore(%run_scoped3A : memref<!tpu.dma_semaphore, #tpu.memory_space<semaphore_mem>>)
        tpu.wait_dma2 semaphore(%run_scoped3A : memref<!tpu.dma_semaphore, #tpu.memory_space<semaphore_mem>>) src(%arg3 : memref<3x128xf32, #tpu.memory_space<hbm>>) dst(%arg6 : memref<3x128xf32, #tpu.memory_space<vmem_shared>>)
        tpu.yield
      }) : () -> ()
    } else {
    }
    %barrier3A = arith.constant 0 : index
    tpu.barrier barrier_id(%barrier3A)
    %scan3A = arith.constant 0 : i32
    %scan3A_7 = arith.constant 0 : i32
    %scan3A_8 = arith.constant 50 : i32
    %scan3A_9 = arith.addi %scan3A_7, %scan3A_8 : i32
    %scan3A_10 = arith.constant 1 : i32
    %scan3A_11 = scf.for %scan3A_64 = %scan3A_7 to %scan3A_9 step %scan3A_10 iter_args(%scan3A_65 = %scan3A) -> (i32)  : i32 {
      %mul3A_66 = arith.constant 4 : i32
      %mul3A_67 = arith.muli %scan3A_64, %mul3A_66 : i32
      %add3A_68 = arith.constant 0 : i32
      %add3A_69 = arith.addi %mul3A_67, %add3A_68 : i32
      %ge3A = arith.constant 1 : i32
      %ge3A_70 = arith.cmpi sge, %scan3A_64, %ge3A : i32
      %convert_element_type3A_71 = arith.extui %ge3A_70 : i1 to i32
      %cond3A_72 = arith.constant 0 : i32
      %cond3A_73 = arith.cmpi ne, %convert_element_type3A_71, %cond3A_72 : i32
      scf.if %cond3A_73 {
        %dma_wait3A_269 = arith.constant 0 : i32
        %dma_wait3A_270 = arith.constant 0 : i32
        %dma_wait3A_271 = arith.constant 0 : i32
        %dma_wait3A_272 = tpu.memref_slice %arg7[%dma_wait3A_269, %dma_wait3A_270, %dma_wait3A_271] : memref<4x128x128xf32, #tpu.memory_space<vmem>> -> memref<1x128x128xf32, #tpu.memory_space<vmem>>
        %dma_wait3A_273 = tpu.memref_squeeze %dma_wait3A_272 : memref<1x128x128xf32, #tpu.memory_space<vmem>> -> memref<128x128xf32, #tpu.memory_space<vmem>>
        %dma_wait3A_274 = arith.constant 0 : i32
        %dma_wait3A_275 = tpu.memref_slice %arg4[%mul3A_2, %dma_wait3A_274] : memref<819200x128xf32, #tpu.memory_space<hbm>> -> memref<128x128xf32, #tpu.memory_space<hbm>>
        %dma_wait3A_276 = arith.constant 0 : i32
        %dma_wait3A_277 = tpu.memref_slice %arg4[%mul3A_2, %dma_wait3A_276] : memref<819200x128xf32, #tpu.memory_space<hbm>> -> memref<128x128xf32, #tpu.memory_space<hbm>>
        %dma_wait3A_278 = arith.constant 0 : i32
        %dma_wait3A_279 = arith.constant 0 : i32
        %dma_wait3A_280 = tpu.memref_slice %arg7[%dma_wait3A_269, %dma_wait3A_278, %dma_wait3A_279] : memref<4x128x128xf32, #tpu.memory_space<vmem>> -> memref<1x128x128xf32, #tpu.memory_space<vmem>>
        %dma_wait3A_281 = tpu.memref_squeeze %dma_wait3A_280 : memref<1x128x128xf32, #tpu.memory_space<vmem>> -> memref<128x128xf32, #tpu.memory_space<vmem>>
        tpu.wait_dma2 semaphore(%arg9 : memref<!tpu.dma_semaphore, #tpu.memory_space<semaphore_mem>>) src(%dma_wait3A_281 : memref<128x128xf32, #tpu.memory_space<vmem>>) dst(%dma_wait3A_277 : memref<128x128xf32, #tpu.memory_space<hbm>>)
      } else {
      }
      %dma_start3A = arith.constant 0 : i32
      %dma_start3A_74 = arith.constant 0 : i32
      %dma_start3A_75 = arith.constant 0 : i32
      %dma_start3A_76 = tpu.memref_slice %arg7[%dma_start3A, %dma_start3A_74, %dma_start3A_75] : memref<4x128x128xf32, #tpu.memory_space<vmem>> -> memref<1x128x128xf32, #tpu.memory_space<vmem>>
      %dma_start3A_77 = tpu.memref_squeeze %dma_start3A_76 : memref<1x128x128xf32, #tpu.memory_space<vmem>> -> memref<128x128xf32, #tpu.memory_space<vmem>>
      %dma_start3A_78 = arith.constant 0 : i32
      %dma_start3A_79 = tpu.memref_slice %arg5[%add3A_69, %dma_start3A_78] : memref<200x128xi32, #tpu.memory_space<vmem>> -> memref<1x128xi32, #tpu.memory_space<vmem>>
      %dma_start3A_80 = tpu.memref_squeeze %dma_start3A_79 : memref<1x128xi32, #tpu.memory_space<vmem>> -> memref<128xi32, #tpu.memory_space<vmem>>
      %dma_start3A_81 = arith.constant 0 : i32
      %dma_start3A_82 = arith.constant 0 : i32
      %dma_start3A_83 = tpu.memref_slice %arg6[%dma_start3A_81, %dma_start3A_82] : memref<3x128xf32, #tpu.memory_space<vmem_shared>> -> memref<3x128xf32, #tpu.memory_space<vmem_shared>>
      tpu.enqueue_indirect_dma source(%dma_start3A_83 : memref<3x128xf32, #tpu.memory_space<vmem_shared>>) target(%dma_start3A_77 : memref<128x128xf32, #tpu.memory_space<vmem>>) offsets(%dma_start3A_80 : memref<128xi32, #tpu.memory_space<vmem>>) semaphore(%arg8 : memref<!tpu.dma_semaphore, #tpu.memory_space<semaphore_mem>>)
      %mul3A_84 = arith.constant 4 : i32
      %mul3A_85 = arith.muli %scan3A_64, %mul3A_84 : i32
      %add3A_86 = arith.constant 1 : i32
      %add3A_87 = arith.addi %mul3A_85, %add3A_86 : i32
      %ge3A_88 = arith.constant 1 : i32
      %ge3A_89 = arith.cmpi sge, %scan3A_64, %ge3A_88 : i32
      %convert_element_type3A_90 = arith.extui %ge3A_89 : i1 to i32
      %cond3A_91 = arith.constant 0 : i32
      %cond3A_92 = arith.cmpi ne, %convert_element_type3A_90, %cond3A_91 : i32
      scf.if %cond3A_92 {
        %dma_wait3A_269 = arith.constant 0 : i32
        %dma_wait3A_270 = arith.constant 0 : i32
        %dma_wait3A_271 = arith.constant 0 : i32
        %dma_wait3A_272 = tpu.memref_slice %arg7[%dma_wait3A_269, %dma_wait3A_270, %dma_wait3A_271] : memref<4x128x128xf32, #tpu.memory_space<vmem>> -> memref<1x128x128xf32, #tpu.memory_space<vmem>>
        %dma_wait3A_273 = tpu.memref_squeeze %dma_wait3A_272 : memref<1x128x128xf32, #tpu.memory_space<vmem>> -> memref<128x128xf32, #tpu.memory_space<vmem>>
        %dma_wait3A_274 = arith.constant 0 : i32
        %dma_wait3A_275 = tpu.memref_slice %arg4[%mul3A_2, %dma_wait3A_274] : memref<819200x128xf32, #tpu.memory_space<hbm>> -> memref<128x128xf32, #tpu.memory_space<hbm>>
        %dma_wait3A_276 = arith.constant 0 : i32
        %dma_wait3A_277 = tpu.memref_slice %arg4[%mul3A_2, %dma_wait3A_276] : memref<819200x128xf32, #tpu.memory_space<hbm>> -> memref<128x128xf32, #tpu.memory_space<hbm>>
        %dma_wait3A_278 = arith.constant 0 : i32
        %dma_wait3A_279 = arith.constant 0 : i32
        %dma_wait3A_280 = tpu.memref_slice %arg7[%dma_wait3A_269, %dma_wait3A_278, %dma_wait3A_279] : memref<4x128x128xf32, #tpu.memory_space<vmem>> -> memref<1x128x128xf32, #tpu.memory_space<vmem>>
        %dma_wait3A_281 = tpu.memref_squeeze %dma_wait3A_280 : memref<1x128x128xf32, #tpu.memory_space<vmem>> -> memref<128x128xf32, #tpu.memory_space<vmem>>
        tpu.wait_dma2 semaphore(%arg9 : memref<!tpu.dma_semaphore, #tpu.memory_space<semaphore_mem>>) src(%dma_wait3A_281 : memref<128x128xf32, #tpu.memory_space<vmem>>) dst(%dma_wait3A_277 : memref<128x128xf32, #tpu.memory_space<hbm>>)
      } else {
      }
      %dma_start3A_93 = arith.constant 1 : i32
      %dma_start3A_94 = arith.constant 0 : i32
      %dma_start3A_95 = arith.constant 0 : i32
      %dma_start3A_96 = tpu.memref_slice %arg7[%dma_start3A_93, %dma_start3A_94, %dma_start3A_95] : memref<4x128x128xf32, #tpu.memory_space<vmem>> -> memref<1x128x128xf32, #tpu.memory_space<vmem>>
      %dma_start3A_97 = tpu.memref_squeeze %dma_start3A_96 : memref<1x128x128xf32, #tpu.memory_space<vmem>> -> memref<128x128xf32, #tpu.memory_space<vmem>>
      %dma_start3A_98 = arith.constant 0 : i32
      %dma_start3A_99 = tpu.memref_slice %arg5[%add3A_87, %dma_start3A_98] : memref<200x128xi32, #tpu.memory_space<vmem>> -> memref<1x128xi32, #tpu.memory_space<vmem>>
      %dma_start3A_100 = tpu.memref_squeeze %dma_start3A_99 : memref<1x128xi32, #tpu.memory_space<vmem>> -> memref<128xi32, #tpu.memory_space<vmem>>
      %dma_start3A_101 = arith.constant 0 : i32
      %dma_start3A_102 = arith.constant 0 : i32
      %dma_start3A_103 = tpu.memref_slice %arg6[%dma_start3A_101, %dma_start3A_102] : memref<3x128xf32, #tpu.memory_space<vmem_shared>> -> memref<3x128xf32, #tpu.memory_space<vmem_shared>>
      tpu.enqueue_indirect_dma source(%dma_start3A_103 : memref<3x128xf32, #tpu.memory_space<vmem_shared>>) target(%dma_start3A_97 : memref<128x128xf32, #tpu.memory_space<vmem>>) offsets(%dma_start3A_100 : memref<128xi32, #tpu.memory_space<vmem>>) semaphore(%arg8 : memref<!tpu.dma_semaphore, #tpu.memory_space<semaphore_mem>>)
      %mul3A_104 = arith.constant 4 : i32
      %mul3A_105 = arith.muli %scan3A_64, %mul3A_104 : i32
      %add3A_106 = arith.constant 2 : i32
      %add3A_107 = arith.addi %mul3A_105, %add3A_106 : i32
      %ge3A_108 = arith.constant 1 : i32
      %ge3A_109 = arith.cmpi sge, %scan3A_64, %ge3A_108 : i32
      %convert_element_type3A_110 = arith.extui %ge3A_109 : i1 to i32
      %cond3A_111 = arith.constant 0 : i32
      %cond3A_112 = arith.cmpi ne, %convert_element_type3A_110, %cond3A_111 : i32
      scf.if %cond3A_112 {
        %dma_wait3A_269 = arith.constant 0 : i32
        %dma_wait3A_270 = arith.constant 0 : i32
        %dma_wait3A_271 = arith.constant 0 : i32
        %dma_wait3A_272 = tpu.memref_slice %arg7[%dma_wait3A_269, %dma_wait3A_270, %dma_wait3A_271] : memref<4x128x128xf32, #tpu.memory_space<vmem>> -> memref<1x128x128xf32, #tpu.memory_space<vmem>>
        %dma_wait3A_273 = tpu.memref_squeeze %dma_wait3A_272 : memref<1x128x128xf32, #tpu.memory_space<vmem>> -> memref<128x128xf32, #tpu.memory_space<vmem>>
        %dma_wait3A_274 = arith.constant 0 : i32
        %dma_wait3A_275 = tpu.memref_slice %arg4[%mul3A_2, %dma_wait3A_274] : memref<819200x128xf32, #tpu.memory_space<hbm>> -> memref<128x128xf32, #tpu.memory_space<hbm>>
        %dma_wait3A_276 = arith.constant 0 : i32
        %dma_wait3A_277 = tpu.memref_slice %arg4[%mul3A_2, %dma_wait3A_276] : memref<819200x128xf32, #tpu.memory_space<hbm>> -> memref<128x128xf32, #tpu.memory_space<hbm>>
        %dma_wait3A_278 = arith.constant 0 : i32
        %dma_wait3A_279 = arith.constant 0 : i32
        %dma_wait3A_280 = tpu.memref_slice %arg7[%dma_wait3A_269, %dma_wait3A_278, %dma_wait3A_279] : memref<4x128x128xf32, #tpu.memory_space<vmem>> -> memref<1x128x128xf32, #tpu.memory_space<vmem>>
        %dma_wait3A_281 = tpu.memref_squeeze %dma_wait3A_280 : memref<1x128x128xf32, #tpu.memory_space<vmem>> -> memref<128x128xf32, #tpu.memory_space<vmem>>
        tpu.wait_dma2 semaphore(%arg9 : memref<!tpu.dma_semaphore, #tpu.memory_space<semaphore_mem>>) src(%dma_wait3A_281 : memref<128x128xf32, #tpu.memory_space<vmem>>) dst(%dma_wait3A_277 : memref<128x128xf32, #tpu.memory_space<hbm>>)
      } else {
      }
      %dma_start3A_113 = arith.constant 2 : i32
      %dma_start3A_114 = arith.constant 0 : i32
      %dma_start3A_115 = arith.constant 0 : i32
      %dma_start3A_116 = tpu.memref_slice %arg7[%dma_start3A_113, %dma_start3A_114, %dma_start3A_115] : memref<4x128x128xf32, #tpu.memory_space<vmem>> -> memref<1x128x128xf32, #tpu.memory_space<vmem>>
      %dma_start3A_117 = tpu.memref_squeeze %dma_start3A_116 : memref<1x128x128xf32, #tpu.memory_space<vmem>> -> memref<128x128xf32, #tpu.memory_space<vmem>>
      %dma_start3A_118 = arith.constant 0 : i32
      %dma_start3A_119 = tpu.memref_slice %arg5[%add3A_107, %dma_start3A_118] : memref<200x128xi32, #tpu.memory_space<vmem>> -> memref<1x128xi32, #tpu.memory_space<vmem>>
      %dma_start3A_120 = tpu.memref_squeeze %dma_start3A_119 : memref<1x128xi32, #tpu.memory_space<vmem>> -> memref<128xi32, #tpu.memory_space<vmem>>
      %dma_start3A_121 = arith.constant 0 : i32
      %dma_start3A_122 = arith.constant 0 : i32
      %dma_start3A_123 = tpu.memref_slice %arg6[%dma_start3A_121, %dma_start3A_122] : memref<3x128xf32, #tpu.memory_space<vmem_shared>> -> memref<3x128xf32, #tpu.memory_space<vmem_shared>>
      tpu.enqueue_indirect_dma source(%dma_start3A_123 : memref<3x128xf32, #tpu.memory_space<vmem_shared>>) target(%dma_start3A_117 : memref<128x128xf32, #tpu.memory_space<vmem>>) offsets(%dma_start3A_120 : memref<128xi32, #tpu.memory_space<vmem>>) semaphore(%arg8 : memref<!tpu.dma_semaphore, #tpu.memory_space<semaphore_mem>>)
      %mul3A_124 = arith.constant 4 : i32
      %mul3A_125 = arith.muli %scan3A_64, %mul3A_124 : i32
      %add3A_126 = arith.constant 3 : i32
      %add3A_127 = arith.addi %mul3A_125, %add3A_126 : i32
      %ge3A_128 = arith.constant 1 : i32
      %ge3A_129 = arith.cmpi sge, %scan3A_64, %ge3A_128 : i32
      %convert_element_type3A_130 = arith.extui %ge3A_129 : i1 to i32
      %cond3A_131 = arith.constant 0 : i32
      %cond3A_132 = arith.cmpi ne, %convert_element_type3A_130, %cond3A_131 : i32
      scf.if %cond3A_132 {
        %dma_wait3A_269 = arith.constant 0 : i32
        %dma_wait3A_270 = arith.constant 0 : i32
        %dma_wait3A_271 = arith.constant 0 : i32
        %dma_wait3A_272 = tpu.memref_slice %arg7[%dma_wait3A_269, %dma_wait3A_270, %dma_wait3A_271] : memref<4x128x128xf32, #tpu.memory_space<vmem>> -> memref<1x128x128xf32, #tpu.memory_space<vmem>>
        %dma_wait3A_273 = tpu.memref_squeeze %dma_wait3A_272 : memref<1x128x128xf32, #tpu.memory_space<vmem>> -> memref<128x128xf32, #tpu.memory_space<vmem>>
        %dma_wait3A_274 = arith.constant 0 : i32
        %dma_wait3A_275 = tpu.memref_slice %arg4[%mul3A_2, %dma_wait3A_274] : memref<819200x128xf32, #tpu.memory_space<hbm>> -> memref<128x128xf32, #tpu.memory_space<hbm>>
        %dma_wait3A_276 = arith.constant 0 : i32
        %dma_wait3A_277 = tpu.memref_slice %arg4[%mul3A_2, %dma_wait3A_276] : memref<819200x128xf32, #tpu.memory_space<hbm>> -> memref<128x128xf32, #tpu.memory_space<hbm>>
        %dma_wait3A_278 = arith.constant 0 : i32
        %dma_wait3A_279 = arith.constant 0 : i32
        %dma_wait3A_280 = tpu.memref_slice %arg7[%dma_wait3A_269, %dma_wait3A_278, %dma_wait3A_279] : memref<4x128x128xf32, #tpu.memory_space<vmem>> -> memref<1x128x128xf32, #tpu.memory_space<vmem>>
        %dma_wait3A_281 = tpu.memref_squeeze %dma_wait3A_280 : memref<1x128x128xf32, #tpu.memory_space<vmem>> -> memref<128x128xf32, #tpu.memory_space<vmem>>
        tpu.wait_dma2 semaphore(%arg9 : memref<!tpu.dma_semaphore, #tpu.memory_space<semaphore_mem>>) src(%dma_wait3A_281 : memref<128x128xf32, #tpu.memory_space<vmem>>) dst(%dma_wait3A_277 : memref<128x128xf32, #tpu.memory_space<hbm>>)
      } else {
      }
      %dma_start3A_133 = arith.constant 3 : i32
      %dma_start3A_134 = arith.constant 0 : i32
      %dma_start3A_135 = arith.constant 0 : i32
      %dma_start3A_136 = tpu.memref_slice %arg7[%dma_start3A_133, %dma_start3A_134, %dma_start3A_135] : memref<4x128x128xf32, #tpu.memory_space<vmem>> -> memref<1x128x128xf32, #tpu.memory_space<vmem>>
      %dma_start3A_137 = tpu.memref_squeeze %dma_start3A_136 : memref<1x128x128xf32, #tpu.memory_space<vmem>> -> memref<128x128xf32, #tpu.memory_space<vmem>>
      %dma_start3A_138 = arith.constant 0 : i32
      %dma_start3A_139 = tpu.memref_slice %arg5[%add3A_127, %dma_start3A_138] : memref<200x128xi32, #tpu.memory_space<vmem>> -> memref<1x128xi32, #tpu.memory_space<vmem>>
      %dma_start3A_140 = tpu.memref_squeeze %dma_start3A_139 : memref<1x128xi32, #tpu.memory_space<vmem>> -> memref<128xi32, #tpu.memory_space<vmem>>
      %dma_start3A_141 = arith.constant 0 : i32
      %dma_start3A_142 = arith.constant 0 : i32
      %dma_start3A_143 = tpu.memref_slice %arg6[%dma_start3A_141, %dma_start3A_142] : memref<3x128xf32, #tpu.memory_space<vmem_shared>> -> memref<3x128xf32, #tpu.memory_space<vmem_shared>>
      tpu.enqueue_indirect_dma source(%dma_start3A_143 : memref<3x128xf32, #tpu.memory_space<vmem_shared>>) target(%dma_start3A_137 : memref<128x128xf32, #tpu.memory_space<vmem>>) offsets(%dma_start3A_140 : memref<128xi32, #tpu.memory_space<vmem>>) semaphore(%arg8 : memref<!tpu.dma_semaphore, #tpu.memory_space<semaphore_mem>>)
      %mul3A_144 = arith.constant 4 : i32
      %mul3A_145 = arith.muli %scan3A_64, %mul3A_144 : i32
      %add3A_146 = arith.constant 0 : i32
      %add3A_147 = arith.addi %mul3A_145, %add3A_146 : i32
      %dma_wait3A_148 = arith.constant 0 : i32
      %dma_wait3A_149 = arith.constant 0 : i32
      %dma_wait3A_150 = arith.constant 0 : i32
      %dma_wait3A_151 = tpu.memref_slice %arg7[%dma_wait3A_148, %dma_wait3A_149, %dma_wait3A_150] : memref<4x128x128xf32, #tpu.memory_space<vmem>> -> memref<1x128x128xf32, #tpu.memory_space<vmem>>
      %dma_wait3A_152 = tpu.memref_squeeze %dma_wait3A_151 : memref<1x128x128xf32, #tpu.memory_space<vmem>> -> memref<128x128xf32, #tpu.memory_space<vmem>>
      %dma_wait3A_153 = arith.constant 0 : i32
      %dma_wait3A_154 = tpu.memref_slice %arg5[%add3A_69, %dma_wait3A_153] : memref<200x128xi32, #tpu.memory_space<vmem>> -> memref<1x128xi32, #tpu.memory_space<vmem>>
      %dma_wait3A_155 = tpu.memref_squeeze %dma_wait3A_154 : memref<1x128xi32, #tpu.memory_space<vmem>> -> memref<128xi32, #tpu.memory_space<vmem>>
      %dma_wait3A_156 = arith.constant 0 : i32
      %dma_wait3A_157 = arith.constant 0 : i32
      %dma_wait3A_158 = tpu.memref_slice %arg6[%dma_wait3A_156, %dma_wait3A_157] : memref<3x128xf32, #tpu.memory_space<vmem_shared>> -> memref<3x128xf32, #tpu.memory_space<vmem_shared>>
      tpu.wait_indirect_dma semaphore(%arg8 : memref<!tpu.dma_semaphore, #tpu.memory_space<semaphore_mem>>) src(%dma_wait3A_158 : memref<3x128xf32, #tpu.memory_space<vmem_shared>>) dst(%dma_wait3A_152 : memref<128x128xf32, #tpu.memory_space<vmem>>)
      %mul3A_159 = arith.constant 128 : i32
      %mul3A_160 = arith.muli %add3A_147, %mul3A_159 : i32
      %add3A_161 = arith.addi %mul3A_2, %mul3A_160 : i32
      %dma_start3A_162 = arith.constant 0 : i32
      %dma_start3A_163 = arith.constant 0 : i32
      %dma_start3A_164 = arith.constant 0 : i32
      %dma_start3A_165 = tpu.memref_slice %arg7[%dma_start3A_162, %dma_start3A_163, %dma_start3A_164] : memref<4x128x128xf32, #tpu.memory_space<vmem>> -> memref<1x128x128xf32, #tpu.memory_space<vmem>>
      %dma_start3A_166 = tpu.memref_squeeze %dma_start3A_165 : memref<1x128x128xf32, #tpu.memory_space<vmem>> -> memref<128x128xf32, #tpu.memory_space<vmem>>
      %dma_start3A_167 = arith.constant 0 : i32
      %dma_start3A_168 = tpu.memref_slice %arg4[%add3A_161, %dma_start3A_167] : memref<819200x128xf32, #tpu.memory_space<hbm>> -> memref<128x128xf32, #tpu.memory_space<hbm>>
      %dma_start3A_169 = arith.constant 0 : i32
      %dma_start3A_170 = tpu.memref_slice %arg4[%add3A_161, %dma_start3A_169] : memref<819200x128xf32, #tpu.memory_space<hbm>> -> memref<128x128xf32, #tpu.memory_space<hbm>>
      %dma_start3A_171 = arith.constant 0 : i32
      %dma_start3A_172 = arith.constant 0 : i32
      %dma_start3A_173 = tpu.memref_slice %arg7[%dma_start3A_162, %dma_start3A_171, %dma_start3A_172] : memref<4x128x128xf32, #tpu.memory_space<vmem>> -> memref<1x128x128xf32, #tpu.memory_space<vmem>>
      %dma_start3A_174 = tpu.memref_squeeze %dma_start3A_173 : memref<1x128x128xf32, #tpu.memory_space<vmem>> -> memref<128x128xf32, #tpu.memory_space<vmem>>
      tpu.enqueue_dma source(%dma_start3A_174 : memref<128x128xf32, #tpu.memory_space<vmem>>) target(%dma_start3A_170 : memref<128x128xf32, #tpu.memory_space<hbm>>) target_semaphore(%arg9 : memref<!tpu.dma_semaphore, #tpu.memory_space<semaphore_mem>>)
      %mul3A_175 = arith.constant 4 : i32
      %mul3A_176 = arith.muli %scan3A_64, %mul3A_175 : i32
      %add3A_177 = arith.constant 1 : i32
      %add3A_178 = arith.addi %mul3A_176, %add3A_177 : i32
      %dma_wait3A_179 = arith.constant 1 : i32
      %dma_wait3A_180 = arith.constant 0 : i32
      %dma_wait3A_181 = arith.constant 0 : i32
      %dma_wait3A_182 = tpu.memref_slice %arg7[%dma_wait3A_179, %dma_wait3A_180, %dma_wait3A_181] : memref<4x128x128xf32, #tpu.memory_space<vmem>> -> memref<1x128x128xf32, #tpu.memory_space<vmem>>
      %dma_wait3A_183 = tpu.memref_squeeze %dma_wait3A_182 : memref<1x128x128xf32, #tpu.memory_space<vmem>> -> memref<128x128xf32, #tpu.memory_space<vmem>>
      %dma_wait3A_184 = arith.constant 0 : i32
      %dma_wait3A_185 = tpu.memref_slice %arg5[%add3A_87, %dma_wait3A_184] : memref<200x128xi32, #tpu.memory_space<vmem>> -> memref<1x128xi32, #tpu.memory_space<vmem>>
      %dma_wait3A_186 = tpu.memref_squeeze %dma_wait3A_185 : memref<1x128xi32, #tpu.memory_space<vmem>> -> memref<128xi32, #tpu.memory_space<vmem>>
      %dma_wait3A_187 = arith.constant 0 : i32
      %dma_wait3A_188 = arith.constant 0 : i32
      %dma_wait3A_189 = tpu.memref_slice %arg6[%dma_wait3A_187, %dma_wait3A_188] : memref<3x128xf32, #tpu.memory_space<vmem_shared>> -> memref<3x128xf32, #tpu.memory_space<vmem_shared>>
      tpu.wait_indirect_dma semaphore(%arg8 : memref<!tpu.dma_semaphore, #tpu.memory_space<semaphore_mem>>) src(%dma_wait3A_189 : memref<3x128xf32, #tpu.memory_space<vmem_shared>>) dst(%dma_wait3A_183 : memref<128x128xf32, #tpu.memory_space<vmem>>)
      %mul3A_190 = arith.constant 128 : i32
      %mul3A_191 = arith.muli %add3A_178, %mul3A_190 : i32
      %add3A_192 = arith.addi %mul3A_2, %mul3A_191 : i32
      %dma_start3A_193 = arith.constant 1 : i32
      %dma_start3A_194 = arith.constant 0 : i32
      %dma_start3A_195 = arith.constant 0 : i32
      %dma_start3A_196 = tpu.memref_slice %arg7[%dma_start3A_193, %dma_start3A_194, %dma_start3A_195] : memref<4x128x128xf32, #tpu.memory_space<vmem>> -> memref<1x128x128xf32, #tpu.memory_space<vmem>>
      %dma_start3A_197 = tpu.memref_squeeze %dma_start3A_196 : memref<1x128x128xf32, #tpu.memory_space<vmem>> -> memref<128x128xf32, #tpu.memory_space<vmem>>
      %dma_start3A_198 = arith.constant 0 : i32
      %dma_start3A_199 = tpu.memref_slice %arg4[%add3A_192, %dma_start3A_198] : memref<819200x128xf32, #tpu.memory_space<hbm>> -> memref<128x128xf32, #tpu.memory_space<hbm>>
      %dma_start3A_200 = arith.constant 0 : i32
      %dma_start3A_201 = tpu.memref_slice %arg4[%add3A_192, %dma_start3A_200] : memref<819200x128xf32, #tpu.memory_space<hbm>> -> memref<128x128xf32, #tpu.memory_space<hbm>>
      %dma_start3A_202 = arith.constant 0 : i32
      %dma_start3A_203 = arith.constant 0 : i32
      %dma_start3A_204 = tpu.memref_slice %arg7[%dma_start3A_193, %dma_start3A_202, %dma_start3A_203] : memref<4x128x128xf32, #tpu.memory_space<vmem>> -> memref<1x128x128xf32, #tpu.memory_space<vmem>>
      %dma_start3A_205 = tpu.memref_squeeze %dma_start3A_204 : memref<1x128x128xf32, #tpu.memory_space<vmem>> -> memref<128x128xf32, #tpu.memory_space<vmem>>
      tpu.enqueue_dma source(%dma_start3A_205 : memref<128x128xf32, #tpu.memory_space<vmem>>) target(%dma_start3A_201 : memref<128x128xf32, #tpu.memory_space<hbm>>) target_semaphore(%arg9 : memref<!tpu.dma_semaphore, #tpu.memory_space<semaphore_mem>>)
      %mul3A_206 = arith.constant 4 : i32
      %mul3A_207 = arith.muli %scan3A_64, %mul3A_206 : i32
      %add3A_208 = arith.constant 2 : i32
      %add3A_209 = arith.addi %mul3A_207, %add3A_208 : i32
      %dma_wait3A_210 = arith.constant 2 : i32
      %dma_wait3A_211 = arith.constant 0 : i32
      %dma_wait3A_212 = arith.constant 0 : i32
      %dma_wait3A_213 = tpu.memref_slice %arg7[%dma_wait3A_210, %dma_wait3A_211, %dma_wait3A_212] : memref<4x128x128xf32, #tpu.memory_space<vmem>> -> memref<1x128x128xf32, #tpu.memory_space<vmem>>
      %dma_wait3A_214 = tpu.memref_squeeze %dma_wait3A_213 : memref<1x128x128xf32, #tpu.memory_space<vmem>> -> memref<128x128xf32, #tpu.memory_space<vmem>>
      %dma_wait3A_215 = arith.constant 0 : i32
      %dma_wait3A_216 = tpu.memref_slice %arg5[%add3A_107, %dma_wait3A_215] : memref<200x128xi32, #tpu.memory_space<vmem>> -> memref<1x128xi32, #tpu.memory_space<vmem>>
      %dma_wait3A_217 = tpu.memref_squeeze %dma_wait3A_216 : memref<1x128xi32, #tpu.memory_space<vmem>> -> memref<128xi32, #tpu.memory_space<vmem>>
      %dma_wait3A_218 = arith.constant 0 : i32
      %dma_wait3A_219 = arith.constant 0 : i32
      %dma_wait3A_220 = tpu.memref_slice %arg6[%dma_wait3A_218, %dma_wait3A_219] : memref<3x128xf32, #tpu.memory_space<vmem_shared>> -> memref<3x128xf32, #tpu.memory_space<vmem_shared>>
      tpu.wait_indirect_dma semaphore(%arg8 : memref<!tpu.dma_semaphore, #tpu.memory_space<semaphore_mem>>) src(%dma_wait3A_220 : memref<3x128xf32, #tpu.memory_space<vmem_shared>>) dst(%dma_wait3A_214 : memref<128x128xf32, #tpu.memory_space<vmem>>)
      %mul3A_221 = arith.constant 128 : i32
      %mul3A_222 = arith.muli %add3A_209, %mul3A_221 : i32
      %add3A_223 = arith.addi %mul3A_2, %mul3A_222 : i32
      %dma_start3A_224 = arith.constant 2 : i32
      %dma_start3A_225 = arith.constant 0 : i32
      %dma_start3A_226 = arith.constant 0 : i32
      %dma_start3A_227 = tpu.memref_slice %arg7[%dma_start3A_224, %dma_start3A_225, %dma_start3A_226] : memref<4x128x128xf32, #tpu.memory_space<vmem>> -> memref<1x128x128xf32, #tpu.memory_space<vmem>>
      %dma_start3A_228 = tpu.memref_squeeze %dma_start3A_227 : memref<1x128x128xf32, #tpu.memory_space<vmem>> -> memref<128x128xf32, #tpu.memory_space<vmem>>
      %dma_start3A_229 = arith.constant 0 : i32
      %dma_start3A_230 = tpu.memref_slice %arg4[%add3A_223, %dma_start3A_229] : memref<819200x128xf32, #tpu.memory_space<hbm>> -> memref<128x128xf32, #tpu.memory_space<hbm>>
      %dma_start3A_231 = arith.constant 0 : i32
      %dma_start3A_232 = tpu.memref_slice %arg4[%add3A_223, %dma_start3A_231] : memref<819200x128xf32, #tpu.memory_space<hbm>> -> memref<128x128xf32, #tpu.memory_space<hbm>>
      %dma_start3A_233 = arith.constant 0 : i32
      %dma_start3A_234 = arith.constant 0 : i32
      %dma_start3A_235 = tpu.memref_slice %arg7[%dma_start3A_224, %dma_start3A_233, %dma_start3A_234] : memref<4x128x128xf32, #tpu.memory_space<vmem>> -> memref<1x128x128xf32, #tpu.memory_space<vmem>>
      %dma_start3A_236 = tpu.memref_squeeze %dma_start3A_235 : memref<1x128x128xf32, #tpu.memory_space<vmem>> -> memref<128x128xf32, #tpu.memory_space<vmem>>
      tpu.enqueue_dma source(%dma_start3A_236 : memref<128x128xf32, #tpu.memory_space<vmem>>) target(%dma_start3A_232 : memref<128x128xf32, #tpu.memory_space<hbm>>) target_semaphore(%arg9 : memref<!tpu.dma_semaphore, #tpu.memory_space<semaphore_mem>>)
      %mul3A_237 = arith.constant 4 : i32
      %mul3A_238 = arith.muli %scan3A_64, %mul3A_237 : i32
      %add3A_239 = arith.constant 3 : i32
      %add3A_240 = arith.addi %mul3A_238, %add3A_239 : i32
      %dma_wait3A_241 = arith.constant 3 : i32
      %dma_wait3A_242 = arith.constant 0 : i32
      %dma_wait3A_243 = arith.constant 0 : i32
      %dma_wait3A_244 = tpu.memref_slice %arg7[%dma_wait3A_241, %dma_wait3A_242, %dma_wait3A_243] : memref<4x128x128xf32, #tpu.memory_space<vmem>> -> memref<1x128x128xf32, #tpu.memory_space<vmem>>
      %dma_wait3A_245 = tpu.memref_squeeze %dma_wait3A_244 : memref<1x128x128xf32, #tpu.memory_space<vmem>> -> memref<128x128xf32, #tpu.memory_space<vmem>>
      %dma_wait3A_246 = arith.constant 0 : i32
      %dma_wait3A_247 = tpu.memref_slice %arg5[%add3A_127, %dma_wait3A_246] : memref<200x128xi32, #tpu.memory_space<vmem>> -> memref<1x128xi32, #tpu.memory_space<vmem>>
      %dma_wait3A_248 = tpu.memref_squeeze %dma_wait3A_247 : memref<1x128xi32, #tpu.memory_space<vmem>> -> memref<128xi32, #tpu.memory_space<vmem>>
      %dma_wait3A_249 = arith.constant 0 : i32
      %dma_wait3A_250 = arith.constant 0 : i32
      %dma_wait3A_251 = tpu.memref_slice %arg6[%dma_wait3A_249, %dma_wait3A_250] : memref<3x128xf32, #tpu.memory_space<vmem_shared>> -> memref<3x128xf32, #tpu.memory_space<vmem_shared>>
      tpu.wait_indirect_dma semaphore(%arg8 : memref<!tpu.dma_semaphore, #tpu.memory_space<semaphore_mem>>) src(%dma_wait3A_251 : memref<3x128xf32, #tpu.memory_space<vmem_shared>>) dst(%dma_wait3A_245 : memref<128x128xf32, #tpu.memory_space<vmem>>)
      %mul3A_252 = arith.constant 128 : i32
      %mul3A_253 = arith.muli %add3A_240, %mul3A_252 : i32
      %add3A_254 = arith.addi %mul3A_2, %mul3A_253 : i32
      %dma_start3A_255 = arith.constant 3 : i32
      %dma_start3A_256 = arith.constant 0 : i32
      %dma_start3A_257 = arith.constant 0 : i32
      %dma_start3A_258 = tpu.memref_slice %arg7[%dma_start3A_255, %dma_start3A_256, %dma_start3A_257] : memref<4x128x128xf32, #tpu.memory_space<vmem>> -> memref<1x128x128xf32, #tpu.memory_space<vmem>>
      %dma_start3A_259 = tpu.memref_squeeze %dma_start3A_258 : memref<1x128x128xf32, #tpu.memory_space<vmem>> -> memref<128x128xf32, #tpu.memory_space<vmem>>
      %dma_start3A_260 = arith.constant 0 : i32
      %dma_start3A_261 = tpu.memref_slice %arg4[%add3A_254, %dma_start3A_260] : memref<819200x128xf32, #tpu.memory_space<hbm>> -> memref<128x128xf32, #tpu.memory_space<hbm>>
      %dma_start3A_262 = arith.constant 0 : i32
      %dma_start3A_263 = tpu.memref_slice %arg4[%add3A_254, %dma_start3A_262] : memref<819200x128xf32, #tpu.memory_space<hbm>> -> memref<128x128xf32, #tpu.memory_space<hbm>>
      %dma_start3A_264 = arith.constant 0 : i32
      %dma_start3A_265 = arith.constant 0 : i32
      %dma_start3A_266 = tpu.memref_slice %arg7[%dma_start3A_255, %dma_start3A_264, %dma_start3A_265] : memref<4x128x128xf32, #tpu.memory_space<vmem>> -> memref<1x128x128xf32, #tpu.memory_space<vmem>>
      %dma_start3A_267 = tpu.memref_squeeze %dma_start3A_266 : memref<1x128x128xf32, #tpu.memory_space<vmem>> -> memref<128x128xf32, #tpu.memory_space<vmem>>
      tpu.enqueue_dma source(%dma_start3A_267 : memref<128x128xf32, #tpu.memory_space<vmem>>) target(%dma_start3A_263 : memref<128x128xf32, #tpu.memory_space<hbm>>) target_semaphore(%arg9 : memref<!tpu.dma_semaphore, #tpu.memory_space<semaphore_mem>>)
      %scan3A_268 = arith.constant 0 : i32
      scf.yield %scan3A_268 : i32
    }
    %scan3A_12 = arith.constant 50 : i32
    %dma_wait3A = arith.constant 0 : i32
    %dma_wait3A_13 = arith.constant 0 : i32
    %dma_wait3A_14 = arith.constant 0 : i32
    %dma_wait3A_15 = tpu.memref_slice %arg7[%dma_wait3A, %dma_wait3A_13, %dma_wait3A_14] : memref<4x128x128xf32, #tpu.memory_space<vmem>> -> memref<1x128x128xf32, #tpu.memory_space<vmem>>
    %dma_wait3A_16 = tpu.memref_squeeze %dma_wait3A_15 : memref<1x128x128xf32, #tpu.memory_space<vmem>> -> memref<128x128xf32, #tpu.memory_space<vmem>>
    %dma_wait3A_17 = arith.constant 0 : i32
    %dma_wait3A_18 = tpu.memref_slice %arg4[%mul3A_2, %dma_wait3A_17] : memref<819200x128xf32, #tpu.memory_space<hbm>> -> memref<128x128xf32, #tpu.memory_space<hbm>>
    %dma_wait3A_19 = arith.constant 0 : i32
    %dma_wait3A_20 = tpu.memref_slice %arg4[%mul3A_2, %dma_wait3A_19] : memref<819200x128xf32, #tpu.memory_space<hbm>> -> memref<128x128xf32, #tpu.memory_space<hbm>>
    %dma_wait3A_21 = arith.constant 0 : i32
    %dma_wait3A_22 = arith.constant 0 : i32
    %dma_wait3A_23 = tpu.memref_slice %arg7[%dma_wait3A, %dma_wait3A_21, %dma_wait3A_22] : memref<4x128x128xf32, #tpu.memory_space<vmem>> -> memref<1x128x128xf32, #tpu.memory_space<vmem>>
    %dma_wait3A_24 = tpu.memref_squeeze %dma_wait3A_23 : memref<1x128x128xf32, #tpu.memory_space<vmem>> -> memref<128x128xf32, #tpu.memory_space<vmem>>
    tpu.wait_dma2 semaphore(%arg9 : memref<!tpu.dma_semaphore, #tpu.memory_space<semaphore_mem>>) src(%dma_wait3A_24 : memref<128x128xf32, #tpu.memory_space<vmem>>) dst(%dma_wait3A_20 : memref<128x128xf32, #tpu.memory_space<hbm>>)
    %dma_wait3A_25 = arith.constant 0 : i32
    %dma_wait3A_26 = arith.constant 0 : i32
    %dma_wait3A_27 = arith.constant 0 : i32
    %dma_wait3A_28 = tpu.memref_slice %arg7[%dma_wait3A_25, %dma_wait3A_26, %dma_wait3A_27] : memref<4x128x128xf32, #tpu.memory_space<vmem>> -> memref<1x128x128xf32, #tpu.memory_space<vmem>>
    %dma_wait3A_29 = tpu.memref_squeeze %dma_wait3A_28 : memref<1x128x128xf32, #tpu.memory_space<vmem>> -> memref<128x128xf32, #tpu.memory_space<vmem>>
    %dma_wait3A_30 = arith.constant 0 : i32
    %dma_wait3A_31 = tpu.memref_slice %arg4[%mul3A_2, %dma_wait3A_30] : memref<819200x128xf32, #tpu.memory_space<hbm>> -> memref<128x128xf32, #tpu.memory_space<hbm>>
    %dma_wait3A_32 = arith.constant 0 : i32
    %dma_wait3A_33 = tpu.memref_slice %arg4[%mul3A_2, %dma_wait3A_32] : memref<819200x128xf32, #tpu.memory_space<hbm>> -> memref<128x128xf32, #tpu.memory_space<hbm>>
    %dma_wait3A_34 = arith.constant 0 : i32
    %dma_wait3A_35 = arith.constant 0 : i32
    %dma_wait3A_36 = tpu.memref_slice %arg7[%dma_wait3A_25, %dma_wait3A_34, %dma_wait3A_35] : memref<4x128x128xf32, #tpu.memory_space<vmem>> -> memref<1x128x128xf32, #tpu.memory_space<vmem>>
    %dma_wait3A_37 = tpu.memref_squeeze %dma_wait3A_36 : memref<1x128x128xf32, #tpu.memory_space<vmem>> -> memref<128x128xf32, #tpu.memory_space<vmem>>
    tpu.wait_dma2 semaphore(%arg9 : memref<!tpu.dma_semaphore, #tpu.memory_space<semaphore_mem>>) src(%dma_wait3A_37 : memref<128x128xf32, #tpu.memory_space<vmem>>) dst(%dma_wait3A_33 : memref<128x128xf32, #tpu.memory_space<hbm>>)
    %dma_wait3A_38 = arith.constant 0 : i32
    %dma_wait3A_39 = arith.constant 0 : i32
    %dma_wait3A_40 = arith.constant 0 : i32
    %dma_wait3A_41 = tpu.memref_slice %arg7[%dma_wait3A_38, %dma_wait3A_39, %dma_wait3A_40] : memref<4x128x128xf32, #tpu.memory_space<vmem>> -> memref<1x128x128xf32, #tpu.memory_space<vmem>>
    %dma_wait3A_42 = tpu.memref_squeeze %dma_wait3A_41 : memref<1x128x128xf32, #tpu.memory_space<vmem>> -> memref<128x128xf32, #tpu.memory_space<vmem>>
    %dma_wait3A_43 = arith.constant 0 : i32
    %dma_wait3A_44 = tpu.memref_slice %arg4[%mul3A_2, %dma_wait3A_43] : memref<819200x128xf32, #tpu.memory_space<hbm>> -> memref<128x128xf32, #tpu.memory_space<hbm>>
    %dma_wait3A_45 = arith.constant 0 : i32
    %dma_wait3A_46 = tpu.memref_slice %arg4[%mul3A_2, %dma_wait3A_45] : memref<819200x128xf32, #tpu.memory_space<hbm>> -> memref<128x128xf32, #tpu.memory_space<hbm>>
    %dma_wait3A_47 = arith.constant 0 : i32
    %dma_wait3A_48 = arith.constant 0 : i32
    %dma_wait3A_49 = tpu.memref_slice %arg7[%dma_wait3A_38, %dma_wait3A_47, %dma_wait3A_48] : memref<4x128x128xf32, #tpu.memory_space<vmem>> -> memref<1x128x128xf32, #tpu.memory_space<vmem>>
    %dma_wait3A_50 = tpu.memref_squeeze %dma_wait3A_49 : memref<1x128x128xf32, #tpu.memory_space<vmem>> -> memref<128x128xf32, #tpu.memory_space<vmem>>
    tpu.wait_dma2 semaphore(%arg9 : memref<!tpu.dma_semaphore, #tpu.memory_space<semaphore_mem>>) src(%dma_wait3A_50 : memref<128x128xf32, #tpu.memory_space<vmem>>) dst(%dma_wait3A_46 : memref<128x128xf32, #tpu.memory_space<hbm>>)
    %dma_wait3A_51 = arith.constant 0 : i32
    %dma_wait3A_52 = arith.constant 0 : i32
    %dma_wait3A_53 = arith.constant 0 : i32
    %dma_wait3A_54 = tpu.memref_slice %arg7[%dma_wait3A_51, %dma_wait3A_52, %dma_wait3A_53] : memref<4x128x128xf32, #tpu.memory_space<vmem>> -> memref<1x128x128xf32, #tpu.memory_space<vmem>>
    %dma_wait3A_55 = tpu.memref_squeeze %dma_wait3A_54 : memref<1x128x128xf32, #tpu.memory_space<vmem>> -> memref<128x128xf32, #tpu.memory_space<vmem>>
    %dma_wait3A_56 = arith.constant 0 : i32
    %dma_wait3A_57 = tpu.memref_slice %arg4[%mul3A_2, %dma_wait3A_56] : memref<819200x128xf32, #tpu.memory_space<hbm>> -> memref<128x128xf32, #tpu.memory_space<hbm>>
    %dma_wait3A_58 = arith.constant 0 : i32
    %dma_wait3A_59 = tpu.memref_slice %arg4[%mul3A_2, %dma_wait3A_58] : memref<819200x128xf32, #tpu.memory_space<hbm>> -> memref<128x128xf32, #tpu.memory_space<hbm>>
    %dma_wait3A_60 = arith.constant 0 : i32
    %dma_wait3A_61 = arith.constant 0 : i32
    %dma_wait3A_62 = tpu.memref_slice %arg7[%dma_wait3A_51, %dma_wait3A_60, %dma_wait3A_61] : memref<4x128x128xf32, #tpu.memory_space<vmem>> -> memref<1x128x128xf32, #tpu.memory_space<vmem>>
    %dma_wait3A_63 = tpu.memref_squeeze %dma_wait3A_62 : memref<1x128x128xf32, #tpu.memory_space<vmem>> -> memref<128x128xf32, #tpu.memory_space<vmem>>
    tpu.wait_dma2 semaphore(%arg9 : memref<!tpu.dma_semaphore, #tpu.memory_space<semaphore_mem>>) src(%dma_wait3A_63 : memref<128x128xf32, #tpu.memory_space<vmem>>) dst(%dma_wait3A_59 : memref<128x128xf32, #tpu.memory_space<hbm>>)
    return
  }
}

</mosaic_0001>

<sc_bundles>
// kernel: kernel.3.cloned.1.call-start
scs
__scs_entry_jumppad:
0x0: {  	(pc) =	sbr.rel $0x88, $3  }
0x1: {  	(tag) =	ssettag $0x0;
	lr =	simm.s32 $0x1  }
0x2: {  	[smem:$0x3F9F] =	sst lr;
	_ =	strace $0xD0000000  }
0x3: {  	_ = 	snop  }
0x4: {  	_ = 	snop  }
0x5: {  	_ = 	snop  }
0x6: {  	_ = 	snop  }
0x7: {  	_ = 	snop  }
__scs_overlays_trampoline_lowered:
0x8: {  	[smem:$0x3FAE] =	sst s0  }
0x9: {  	[smem:$0x3FAF] =	sst s1  }
0xa: {  	[smem:$0x3FB0] =	sst s2  }
0xb: {  	[smem:$0x3FB1] =	sst s3  }
0xc: {  	[smem:$0x3FB2] =	sst s4  }
0xd: {  	[smem:$0x3FB3] =	sst s5  }
0xe: {  	[smem:$0x3FB4] =	sst s6  }
0xf: {  	[smem:$0x3FB5] =	sst s7  }
0x10: {  	[smem:$0x3FB6] =	sst s8  }
0x11: {  	[smem:$0x3FB7] =	sst s9;
	s0 =	simm.s32 @!p0 $0x0  }
0x12: {  	s1 =	sld [smem:$0x3F9D];
	s0 =	simm.s32 @p0 $0x1  }
0x13: {  	[smem:$0x3FB8] =	sst s0;
	s0 =	simm.s32 @!p1 $0x0  }
0x14: {  	s2 =	sld [smem:$0x3F9C];
	s0 =	simm.s32 @p1 $0x1  }
0x15: {  	[smem:$0x3FB9] =	sst s0;
	s0 =	simm.s32 @!p2 $0x0  }
0x16: {  	s3 =	sld [smem:$0x3FDB];
	s0 =	simm.s32 @p2 $0x1  }
0x17: {  	s4 =	simm.s32 $0x1BF5;
	[smem:$0x3FBB] =	sst s0  }
0x18: {  	s0 =	sld [smem:$0x3F9E];
	_ =	swait.ge [sflag:s4], $0x0  }
0x19: {  	s7 =	sld [smem:$0x3F9F]  }
0x1a: {  	s8 =	sadd.s32 $0xFFFFE003, lr  }
0x1b: {  	s9 =	sadd.s32 $0xFFFFFEF7, lr;
	s5 =	simm.s32 $0xFFFFFFFF;
	p2 =	slt.u32 s8, $0xFFFFF086  }
0x1c: {  	p1 =	slt.u32 s9, $0xF7A;
	s5 =	simm.s32 @!p2 $0x0  }
0x1d: {  	s5 =	simm.s32 @p1 $0x1;
	p0 =	seq.s32 s7, s2  }
0x1e: {  	s7 =	smul.u32 @!p0 $0xF7A, s2;
	p2 =	seq.s32 @!p0 s5, $0x0  }
0x1f: {  	s9 =	smul.u32 $0xF7A, s1;
	s8 =	simm.s32 @!p0 $0x1BF5;
	p2 =	por !p2, p0  }
0x20: {  	[sflag:s8] =	ssyncset.s32 @!p0 $0xFFFFF086;
	s6 =	sadd.s32 @!p0 s3, s7;
	s7 =	simm.s32 @!p0 $0x108  }
0x21: {  	s3 =	sadd.s32 s3, s9;
	s6 =	sadd.s32 @!p0 $0x88, s6;
	s7 =	simm.s32 @p2 $0x1082  }
0x22: {  	[simem:s7], [sflag:s8] =	dma.local @!p0 [hbm:s6], $0xF7A  }
0x23: {  	s9 =	sor.u32 $0xD0000000, s2;
	s6 =	simm.s32 $0x108;
	_ =	swait.ge @!p0 [sflag:s8], $0x0  }
0x24: {  	s3 =	sadd.s32 $0x88, s3;
	s6 =	simm.s32 @!p1 $0x1082;
	[sflag:s4] =	ssyncset.s32 $0xFFFFF086  }
0x25: {  	[simem:s6], [sflag:s4] =	dma.local [hbm:s3], $0xF7A  }
0x26: {  	[smem:$0x3F9F] =	sst s1;
	(tag) =	ssettag s2;
	_ =	strace s9  }
0x27: {  	s1 =	sld [smem:$0x3FAF]  }
0x28: {  	s2 =	sld [smem:$0x3FB0]  }
0x29: {  	s4 =	sld [smem:$0x3FB2]  }
0x2a: {  	p0 =	seq.s32 s5, $0x0;
	s5 =	sld [smem:$0x3FB3]  }
0x2b: {  	s6 =	sld [smem:$0x3FB4]  }
0x2c: {  	s7 =	sld [smem:$0x3FB5]  }
0x2d: {  	s3 =	simm.s32 $0x108;
	s8 =	sld [smem:$0x3FB6]  }
0x2e: {  	s3 =	simm.s32 @!p0 $0x1082;
	s9 =	sld [smem:$0x3FB7]  }
0x2f: {  	lr =	sadd.s32 s0, s3;
	s0 =	sld [smem:$0x3FAE]  }
0x30: {  	s3 =	sld [smem:$0x3FB1]  }
0x31: {  	[smem:$0x3FBA] =	sst s10  }
0x32: {  	s10 =	sld [smem:$0x3FB8];
	_ =	sdelay $0x3  }
0x33: {  	p0 =	seq.s32 s10, $0x1;
	s10 =	sld [smem:$0x3FBA];
	_ =	sdelay $0x3  }
0x34: {  	[smem:$0x3FBA] =	sst s10  }
0x35: {  	s10 =	sld [smem:$0x3FB9];
	_ =	sdelay $0x3  }
0x36: {  	p1 =	seq.s32 s10, $0x1;
	s10 =	sld [smem:$0x3FBA];
	_ =	sdelay $0x3  }
0x37: {  	[smem:$0x3FBA] =	sst s10  }
0x38: {  	s10 =	sld [smem:$0x3FBB]  }
0x39: {  	_ = 	snop;
	(pc) =	sbr.ind lr, $3  }
0x3a: {  	_ = 	snop  }
0x3b: {  	_ = 	snop  }
0x3c: {  	p2 =	seq.s32 s10, $0x1;
	s10 =	sld [smem:$0x3FBA]  }
0x3d: {  	_ =	shalt  }
0x3e: {  	_ =	shalt  }
0x3f: {  	_ =	shalt  }
0x40: {  	_ =	shalt  }
0x41: {  	_ =	shalt  }
0x42: {  	_ =	shalt  }
0x43: {  	_ =	shalt  }
0x44: {  	_ =	shalt  }
0x45: {  	_ =	shalt  }
0x46: {  	_ =	shalt  }
0x47: {  	_ =	shalt  }
0x48: {  	_ =	shalt  }
0x49: {  	_ =	shalt  }
0x4a: {  	_ =	shalt  }
0x4b: {  	_ =	shalt  }
0x4c: {  	_ =	shalt  }
0x4d: {  	_ =	shalt  }
0x4e: {  	_ =	shalt  }
0x4f: {  	_ =	shalt  }
0x50: {  	_ =	shalt  }
0x51: {  	_ =	shalt  }
0x52: {  	_ =	shalt  }
0x53: {  	_ =	shalt  }
0x54: {  	_ =	shalt  }
0x55: {  	_ =	shalt  }
0x56: {  	_ =	shalt  }
0x57: {  	_ =	shalt  }
0x58: {  	_ =	shalt  }
0x59: {  	_ =	shalt  }
0x5a: {  	_ =	shalt  }
0x5b: {  	_ =	shalt  }
0x5c: {  	_ =	shalt  }
0x5d: {  	_ =	shalt  }
0x5e: {  	_ =	shalt  }
0x5f: {  	_ =	shalt  }
0x60: {  	_ =	shalt  }
0x61: {  	_ =	shalt  }
0x62: {  	_ =	shalt  }
0x63: {  	_ =	shalt  }
0x64: {  	_ =	shalt  }
0x65: {  	_ =	shalt  }
0x66: {  	_ =	shalt  }
0x67: {  	_ =	shalt  }
0x68: {  	_ =	shalt  }
0x69: {  	_ =	shalt  }
0x6a: {  	_ =	shalt  }
0x6b: {  	_ =	shalt  }
0x6c: {  	_ =	shalt  }
0x6d: {  	_ =	shalt  }
0x6e: {  	_ =	shalt  }
0x6f: {  	_ =	shalt  }
0x70: {  	_ =	shalt  }
0x71: {  	_ =	shalt  }
0x72: {  	_ =	shalt  }
0x73: {  	_ =	shalt  }
0x74: {  	_ =	shalt  }
0x75: {  	_ =	shalt  }
0x76: {  	_ =	shalt  }
0x77: {  	_ =	shalt  }
0x78: {  	_ =	shalt  }
0x79: {  	_ =	shalt  }
0x7a: {  	_ =	shalt  }
0x7b: {  	_ =	shalt  }
0x7c: {  	_ =	shalt  }
0x7d: {  	_ =	shalt  }
0x7e: {  	_ =	shalt  }
0x7f: {  	_ =	shalt  }
0x80: {  	_ =	shalt  }
0x81: {  	_ =	shalt  }
0x82: {  	_ =	shalt  }
0x83: {  	_ =	shalt  }
0x84: {  	_ =	shalt  }
0x85: {  	_ =	shalt  }
0x86: {  	_ =	shalt  }
0x87: {  	_ =	shalt  }
.Lfunc_end0:
.L_simem_size_0:
called_computation_lowered:
.L_overlay_start_0:
0x88: {  	s2 =	sld [smem:$0x3FD9]  }
0x89: {  	s3 =	sld [smem:$0x3FFE];
	_ =	sdelay $0x1  }
0x8a: {  	s1 =	srdreg.scid  }
0x8b: {  	s0 =	sand.u32 $0x1, s1  }
0x8c: {  	s17 =	sshll.u32 s0, $0xA;
	s2 =	sadd.s32 s3, s2  }
0x8d: {  	s2 =	sadd.s32 s2, s17  }
0x8e: {  	[smem:$0x3FC6] =	sst s2  }
0x8f: {  	_ = 	snop  }
0x90: {  	s2 =	sld [smem:$0x3FC8]  }
0x91: {  	s18 =	sld [smem:$0x3FD0];
	(tm) =	ssettm $0x1  }
0x92: {  	s4 =	sld [smem:$0x3FFB];
	_ =	sdelay $0x3  }
0x93: {  	_ =	strace s4  }
0x94: {  	s4 =	sld [smem:$0x3FFC];
	_ =	sdelay $0x3  }
0x95: {  	_ =	strace s4  }
0x96: {  	s4 =	sld [smem:$0x3FFD];
	_ =	sdelay $0x3  }
0x97: {  	_ =	strace s4  }
0x98: {  	_ =	strace $0x8FFFFFFF  }
0x99: {  	s19 =	sld [smem:$0x3FDB];
	_ =	sdelay $0x1  }
0x9a: {  	s5 =	simm.s32 $_scs_section_size  }
0x9b: {  	s6 =	simm.s32 $_size__tile_overlayer_lowered;
	s7 =	simm.s32 $_tile_overlayer_lowered  }
0x9c: {  	s22 =	simm.s32 $0x1BFF;
	s21 =	sshll.u32 s7, $0x1;
	s4 =	sadd.s32 s5, s19  }
0x9d: {  	s8 =	simm.s32 $0x0;
	s20 =	sshll.u32 s6, $0x1;
	s6 =	sadd.s32 s21, s4  }
0x9e: {  	[timem:s8], [sflag:s22] =	dma.local [hbm:s6], s20  }
0x9f: {  	_ =	swait.ge [sflag:s22], s20  }
0xa0: {  	s5 =	ssub.s32 $0x0, s20;
	[sflag:s22] =	ssyncset.done $0x0  }
0xa1: {  	[sflag:s22] =	ssyncadd.s32 s5;
	_ =	sdelay $0x1  }
0xa2: {  	s23 =	simm.s32 $0x1B8B  }
0xa3: {  	_ =	swait.ge [sflag:s23], $0x1  }
0xa4: {  	[sflag:s23] =	ssyncset.done $0x0  }
0xa5: {  	s25 =	simm.s32 $0x1B8E;
	s24 =	sld [smem:$0x3FFE];
	[sflag:s23] =	ssyncadd.s32 $0xFFFFFFFF  }
0xa6: {  	s26 =	simm.s32 $execute0_lowered;
	[smem:$0x3FD2] =	sst s25  }
0xa7: {  	s6 =	sshll.u32 s26, $0x1;
	_ =	strace $0x80000046;
	[dreg:$0x1] =	wrdreg $0xFFFFFFFF  }
0xa8: {  	s28 =	simm.s32 $_size_execute0_lowered;
	s4 =	sadd.s32 s4, s6;
	[dreg:$0x0] =	wrdreg $0x0  }
0xa9: {  	s6 =	sshll.u32 s28, $0x1;
	[dreg:$0x2] =	wrdreg s4  }
0xaa: {  	[dreg:$0x3] =	wrdreg s6  }
0xab: {  	[dreg:$0x4] =	wrdreg $0xC0  }
0xac: {  	_ =	task [dreg:s8], $0x5FFFF  }
0xad: {  	[dreg:$0x1] =	wrdreg $0xFFFFFFFF  }
0xae: {  	[dreg:$0x0] =	wrdreg $0x60  }
0xaf: {  	[dreg:$0x2] =	wrdreg s24  }
0xb0: {  	[dreg:$0x3] =	wrdreg s2  }
0xb1: {  	[dreg:$0x4] =	wrdreg s18  }
0xb2: {  	[dreg:$0x5] =	wrdreg $0x64000  }
0xb3: {  	[dreg:$0x6] =	wrdreg $0x9  }
0xb4: {  	_ =	task.clear_ibuf [dreg:s8], $0x7FFFF;
	_ =	strace $0x90000046  }
0xb5: {  	s29 =	simm.s32 $0x9;
	_ =	strace $0x80000048  }
0xb6: {  	_ =	swait.ge [sflag:s29], $0x1  }
0xb7: {  	[sflag:s29] =	ssyncadd.s32 $0xFFFFFFFF  }
0xb8: {  	_ =	strace $0x90000048  }
0xb9: {  	_ =	sfence  }
0xba: {  	s30 =	sld [smem:$0x0];
	_ =	sdelay $0x2  }
0xbb: {  	s31 =	sshll.u32 s1, $0xD;
	s1 =	sshrl.u32 s1, $0x2  }
0xbc: {  	s3 =	sand.u32 $0x4000, s31;
	s1 =	sadd.s32 s1, s30  }
0xbd: {  	s0 =	sor.u32 s3, s0;
	s1 =	sshll.u32 s1, $0x11  }
0xbe: {  	s0 =	sor.u32 s1, s0  }
0xbf: {  	s0 =	sadd.s32 $0x8F2B, s0  }
0xc0: {  	[sflag:s0] =	ssyncadd.remote.s32 $0x1  }
0xc1: {  	_ =	sfence.sel $0xFFFF  }
0xc2: {  	[dreg:$0x0] =	wrdreg $0xFFFFFFFF;
	(pc) =	sbr.abs _section_cstart, $3  }
0xc3: {  	[dreg:$0x1] =	wrdreg $0xFFFFFFFF  }
0xc4: {  	_ =	task.clear_ibuf [dreg:s8], $0x2FFFF;
	_ =	strace $0x9FFFFFFF  }
0xc5: {  	(tm) =	ssettm $0x7FFFFFFF  }
tec
execute0_lowered:
.L_overlay_start_1:
0x0: {  	(tag) =	ssettag $0x1  }
0x1: {  	s4 =	rddreg [dreg:$0x0]  }
0x2: {  	s0 =	rddreg [dreg:$0x1]  }
0x3: {  	s1 =	srdreg.scid;
	s10 =	rddreg [dreg:$0x2]  }
0x4: {  	s12 =	stileid.u32;
	s2 =	rddreg [dreg:$0x3]  }
0x5: {  	s3 =	simm.s32 $0x0;
	s16 =	simm.s32 $0xA418;
	s17 =	simm.s32 $0x100  }
0x6: {  	s18 =	simm.s32 $0xE418;
	s19 =	simm.s32 $0x180;
	s20 =	simm.s32 $0x12418  }
0x7: {  	s21 =	simm.s32 $0x1;
	s22 =	simm.s32 $0x2;
	s28 =	smul.u32 $0x640000, s12  }
0x8: {  	s23 =	simm.s32 $0x0;
	s9 =	sand.u32 $0x1, s1;
	s14 =	smul.u32 $0xC8000, s12  }
0x9: {  	s25 =	sshll.u32 s12, $0x1;
	s1 =	rddreg [dreg:$0x4];
	s30 =	smul.u32 $0x320000, s9  }
0xa: {  	[smem:$0x7FF] =	sst s3;
	s5 =	sor.u32 s9, s25;
	s15 =	smul.u32 $0x64000, s9  }
0xb: {  	p0 =	sne.s32 s12, $0x0;
	s12 =	simm.s32 $0x3;
	s6 =	smul.u32 $0xC80, s5  }
0xc: {  	s7 =	ssub.s32 $0x2, s9;
	_ =	strace $0x80000047;
	s8 =	smul.u32 $0x320000, s5  }
0xd: {  	s11 =	sshrl.u32 s7, $0x1;
	s13 =	smul.u32 $0x64000, s5;
	s31 =	sadd.s32 s14, s10  }
0xe: {  	s14 =	simm.s32 $0x80;
	s26 =	ssub.s32 s7, s11;
	s11 =	sadd.s32 s30, s28  }
0xf: {  	s4 =	sadd.s32 s6, s4;
	s29 =	sshrl.u32 s8, $0x3;
	s5 =	smax.u32 s26, $0x1  }
0x10: {  	s13 =	sadd.s32 s13, s10;
	s11 =	sor.u32 $0x10000, s11;
	s4 =	sadd.s32 $0x400, s4  }
0x11: {  	s6 =	sadd.s32 s10, s29;
	s7 =	sadd.s32 $0x800, s13;
	s8 =	sadd.s32 $0x1000, s13  }
0x12: {  	s9 =	sadd.s32 $0x1800, s13;
	s11 =	sshrl.u32 s11, $0x3;
	s13 =	sshrl.u32 @!p0 s2, $0x3  }
0x13: {  	s10 =	sadd.s32 s11, s10;
	s11 =	sadd.s32 s15, s31;
	s15 =	simm.s32 $0x6418  }
.LBB2_1:
0x14: {  	[tilespmem:s3], [sflag:$0x3] =	stream.linear.gather [hbm4b:s4+s3], $0x6400, $0x38;
	[tilespmem:$0x16418] =	vst v63  }
0x15: {  	_ =	swait.ge [sflag:s12], $0x6400  }
0x16: {  	[sflag:s12] =	ssyncset.done $0x0  }
0x17: {  	s24 =	simm.s32 @!p0 $0x1C03;
	[sflag:s12] =	ssyncadd.s32 $0xFFFF9C00  }
0x18: {  	[spmem:s13], [sflag:s24] =	dma.local @!p0 [hbm:s0], $0x30  }
0x19: {  	s24 =	simm.s32 @!p0 $0x3  }
0x1a: {  	_ =	swait.ge @!p0 [sflag:s24], $0x30  }
0x1b: {  	[sflag:s24] =	ssyncset.done @!p0 $0x0  }
0x1c: {  	[sflag:s24] =	ssyncadd.s32 @!p0 $0xFFFFFFD0  }
0x1d: {  	[bflag:$0x0] =	sbarrier.arrive $0xFFFF  }
0x1e: {  	[tilespmem:s15], [sflag:$0x1] =	stream.indirect.gather [spmem:s2], $0x80, s3, s14, $0xb8;
	[tilespmem:$0x16418] =	vst v63  }
0x1f: {  	_ = 	snop  }
0x20: {  	[tilespmem:s16], [sflag:$0x1] =	stream.indirect.gather [spmem:s2], $0x80, s14, s14, $0xb8;
	[tilespmem:$0x16418] =	vst v63  }
0x21: {  	_ = 	snop  }
0x22: {  	[tilespmem:s18], [sflag:$0x1] =	stream.indirect.gather [spmem:s2], $0x80, s17, s14, $0xb8;
	[tilespmem:$0x16418] =	vst v63  }
0x23: {  	_ = 	snop  }
0x24: {  	[tilespmem:s20], [sflag:$0x1] =	stream.indirect.gather [spmem:s2], $0x80, s19, s14, $0xb8;
	[tilespmem:$0x16418] =	vst v63  }
0x25: {  	_ =	swait.ge [sflag:s21], $0x4000  }
0x26: {  	[sflag:s21] =	ssyncset.done $0x0  }
0x27: {  	[sflag:s21] =	ssyncadd.s32 $0xFFFFC000  }
0x28: {  	[hbm4b:s6+s3] =	stream.linear.scatter [tilespmem:s15], [sflag:$0x2], $0x4000, $0x38;
	[tilespmem:$0x16418] =	vst v63  }
0x29: {  	_ =	swait.ge [sflag:s21], $0x4000  }
0x2a: {  	[sflag:s21] =	ssyncset.done $0x0  }
0x2b: {  	[sflag:s21] =	ssyncadd.s32 $0xFFFFC000  }
0x2c: {  	[hbm4b:s7+s3] =	stream.linear.scatter [tilespmem:s16], [sflag:$0x2], $0x4000, $0x38;
	[tilespmem:$0x16418] =	vst v63  }
0x2d: {  	_ =	swait.ge [sflag:s21], $0x4000  }
0x2e: {  	[sflag:s21] =	ssyncset.done $0x0  }
0x2f: {  	[sflag:s21] =	ssyncadd.s32 $0xFFFFC000  }
0x30: {  	[hbm4b:s8+s3] =	stream.linear.scatter [tilespmem:s18], [sflag:$0x2], $0x4000, $0x38;
	[tilespmem:$0x16418] =	vst v63  }
0x31: {  	_ =	swait.ge [sflag:s21], $0x4000  }
0x32: {  	[sflag:s21] =	ssyncset.done $0x0  }
0x33: {  	[sflag:s21] =	ssyncadd.s32 $0xFFFFC000  }
0x34: {  	[hbm4b:s9+s3] =	stream.linear.scatter [tilespmem:s20], [sflag:$0x2], $0x4000, $0x38;
	[tilespmem:$0x16418] =	vst v63  }
0x35: {  	_ =	swait.ge [sflag:s22], $0x4000  }
0x36: {  	[sflag:s22] =	ssyncset.done $0x0  }
0x37: {  	s31 =	simm.s32 $0x200;
	[sflag:s22] =	ssyncadd.s32 $0xFFFFC000  }
0x38: {  	[tilespmem:s15], [sflag:$0x1] =	stream.indirect.gather [spmem:s2], $0x80, s31, s14, $0xb8;
	[tilespmem:$0x16418] =	vst v63  }
0x39: {  	_ =	swait.ge [sflag:s22], $0x4000  }
0x3a: {  	[sflag:s22] =	ssyncset.done $0x0  }
0x3b: {  	s25 =	simm.s32 $0x280;
	[sflag:s22] =	ssyncadd.s32 $0xFFFFC000  }
0x3c: {  	[tilespmem:s16], [sflag:$0x1] =	stream.indirect.gather [spmem:s2], $0x80, s25, s14, $0xb8;
	[tilespmem:$0x16418] =	vst v63  }
0x3d: {  	_ =	swait.ge [sflag:s22], $0x4000  }
0x3e: {  	[sflag:s22] =	ssyncset.done $0x0  }
0x3f: {  	s26 =	simm.s32 $0x300;
	[sflag:s22] =	ssyncadd.s32 $0xFFFFC000  }
0x40: {  	[tilespmem:s18], [sflag:$0x1] =	stream.indirect.gather [spmem:s2], $0x80, s26, s14, $0xb8;
	[tilespmem:$0x16418] =	vst v63  }
0x41: {  	_ =	swait.ge [sflag:s22], $0x4000  }
0x42: {  	[sflag:s22] =	ssyncset.done $0x0  }
0x43: {  	s28 =	simm.s32 $0x380;
	[sflag:s22] =	ssyncadd.s32 $0xFFFFC000  }
0x44: {  	[tilespmem:s20], [sflag:$0x1] =	stream.indirect.gather [spmem:s2], $0x80, s28, s14, $0xb8;
	[tilespmem:$0x16418] =	vst v63  }
0x45: {  	_ =	swait.ge [sflag:s21], $0x4000  }
0x46: {  	[sflag:s21] =	ssyncset.done $0x0  }
0x47: {  	s29 =	sadd.s32 $0x0, s10;
	[sflag:s21] =	ssyncadd.s32 $0xFFFFC000  }
0x48: {  	[hbm4b:s29+s3] =	stream.linear.scatter [tilespmem:s15], [sflag:$0x2], $0x4000, $0x38;
	[tilespmem:$0x16418] =	vst v63  }
0x49: {  	_ =	swait.ge [sflag:s21], $0x4000  }
0x4a: {  	s25 =	sadd.s32 $0x0, s11;
	[sflag:s21] =	ssyncset.done $0x0  }
0x4b: {  	s30 =	sadd.s32 $0x2800, s25;
	[sflag:s21] =	ssyncadd.s32 $0xFFFFC000  }
0x4c: {  	[hbm4b:s30+s3] =	stream.linear.scatter [tilespmem:s16], [sflag:$0x2], $0x4000, $0x38;
	[tilespmem:$0x16418] =	vst v63  }
0x4d: {  	_ =	swait.ge [sflag:s21], $0x4000  }
0x4e: {  	[sflag:s21] =	ssyncset.done $0x0  }
0x4f: {  	s31 =	sadd.s32 $0x3000, s25;
	[sflag:s21] =	ssyncadd.s32 $0xFFFFC000  }
0x50: {  	[hbm4b:s31+s3] =	stream.linear.scatter [tilespmem:s18], [sflag:$0x2], $0x4000, $0x38;
	[tilespmem:$0x16418] =	vst v63  }
0x51: {  	_ =	swait.ge [sflag:s21], $0x4000  }
0x52: {  	s24 =	simm.s32 $0x2000;
	[sflag:s21] =	ssyncset.done $0x0  }
0x53: {  	s26 =	sadd.s32 $0x3800, s25;
	s25 =	simm.s32 $0x400;
	[sflag:s21] =	ssyncadd.s32 $0xFFFFC000  }
.LBB2_2:
0x54: {  	[hbm4b:s26+s3] =	stream.linear.scatter [tilespmem:s20], [sflag:$0x2], $0x4000, $0x38;
	[tilespmem:$0x16418] =	vst v63  }
0x55: {  	s26 =	smov.u32 s24  }
0x56: {  	p1 =	sne.s32 s24, $0x60000;
	s24 =	sadd.s32 $0x2000, s24;
	_ =	swait.ge [sflag:s22], $0x4000  }
0x57: {  	[sflag:s22] =	ssyncset.done $0x0  }
0x58: {  	[sflag:s22] =	ssyncadd.s32 $0xFFFFC000  }
0x59: {  	[tilespmem:s15], [sflag:$0x1] =	stream.indirect.gather [spmem:s2], $0x80, s25, s14, $0xb8;
	[tilespmem:$0x16418] =	vst v63  }
0x5a: {  	_ =	swait.ge [sflag:s22], $0x4000  }
0x5b: {  	[sflag:s22] =	ssyncset.done $0x0  }
0x5c: {  	s28 =	sadd.s32 $0x80, s25;
	[sflag:s22] =	ssyncadd.s32 $0xFFFFC000  }
0x5d: {  	[tilespmem:s16], [sflag:$0x1] =	stream.indirect.gather [spmem:s2], $0x80, s28, s14, $0xb8;
	[tilespmem:$0x16418] =	vst v63  }
0x5e: {  	_ =	swait.ge [sflag:s22], $0x4000  }
0x5f: {  	[sflag:s22] =	ssyncset.done $0x0  }
0x60: {  	s28 =	sadd.s32 $0x100, s25;
	[sflag:s22] =	ssyncadd.s32 $0xFFFFC000  }
0x61: {  	[tilespmem:s18], [sflag:$0x1] =	stream.indirect.gather [spmem:s2], $0x80, s28, s14, $0xb8;
	[tilespmem:$0x16418] =	vst v63  }
0x62: {  	_ =	swait.ge [sflag:s22], $0x4000  }
0x63: {  	[sflag:s22] =	ssyncset.done $0x0  }
0x64: {  	s28 =	sadd.s32 $0x180, s25;
	[sflag:s22] =	ssyncadd.s32 $0xFFFFC000  }
0x65: {  	[tilespmem:s20], [sflag:$0x1] =	stream.indirect.gather [spmem:s2], $0x80, s28, s14, $0xb8;
	[tilespmem:$0x16418] =	vst v63  }
0x66: {  	_ =	swait.ge [sflag:s21], $0x4000  }
0x67: {  	[sflag:s21] =	ssyncset.done $0x0  }
0x68: {  	s28 =	sadd.s32 s26, s10;
	[sflag:s21] =	ssyncadd.s32 $0xFFFFC000  }
0x69: {  	[hbm4b:s28+s3] =	stream.linear.scatter [tilespmem:s15], [sflag:$0x2], $0x4000, $0x38;
	[tilespmem:$0x16418] =	vst v63  }
0x6a: {  	_ =	swait.ge [sflag:s21], $0x4000  }
0x6b: {  	s26 =	sadd.s32 s26, s11;
	[sflag:s21] =	ssyncset.done $0x0  }
0x6c: {  	s28 =	sadd.s32 $0x2800, s26;
	[sflag:s21] =	ssyncadd.s32 $0xFFFFC000  }
0x6d: {  	[hbm4b:s28+s3] =	stream.linear.scatter [tilespmem:s16], [sflag:$0x2], $0x4000, $0x38;
	[tilespmem:$0x16418] =	vst v63  }
0x6e: {  	_ =	swait.ge [sflag:s21], $0x4000  }
0x6f: {  	[sflag:s21] =	ssyncset.done $0x0  }
.Ltmp0:
0x70: {  	s28 =	sadd.s32 $0x3000, s26;
	[sflag:s21] =	ssyncadd.s32 $0xFFFFC000;
	(pc) =	sbr.rel @p1 .LBB2_2-.Ltmp0, $4  }
0x71: {  	[hbm4b:s28+s3] =	stream.linear.scatter [tilespmem:s18], [sflag:$0x2], $0x4000, $0x38;
	[tilespmem:$0x16418] =	vst v63  }
0x72: {  	_ =	swait.ge [sflag:s21], $0x4000  }
0x73: {  	[sflag:s21] =	ssyncset.done $0x0  }
0x74: {  	s25 =	sadd.s32 $0x200, s25;
	s26 =	sadd.s32 $0x3800, s26;
	[sflag:s21] =	ssyncadd.s32 $0xFFFFC000  }
0x75: {  	[hbm4b:s26+s3] =	stream.linear.scatter [tilespmem:s20], [sflag:$0x2], $0x4000, $0x38;
	[tilespmem:$0x16418] =	vst v63  }
0x76: {  	_ =	swait.ge [sflag:s22], $0x4000  }
0x77: {  	[sflag:s22] =	ssyncset.done $0x0  }
0x78: {  	[sflag:s22] =	ssyncadd.s32 $0xFFFFC000  }
0x79: {  	_ =	swait.ge [sflag:s22], $0x4000  }
0x7a: {  	[sflag:s22] =	ssyncset.done $0x0  }
0x7b: {  	s23 =	sadd.s32 $0x1, s23;
	[sflag:s22] =	ssyncadd.s32 $0xFFFFC000  }
0x7c: {  	p1 =	sne.s32 s23, s5;
	_ =	swait.ge [sflag:s22], $0x4000  }
.Ltmp1:
0x7d: {  	[sflag:s22] =	ssyncset.done $0x0;
	(pc) =	sbr.rel @p1 .LBB2_1-.Ltmp1, $4  }
0x7e: {  	[sflag:s22] =	ssyncadd.s32 $0xFFFFC000  }
0x7f: {  	_ =	swait.ge [sflag:s22], $0x4000  }
0x80: {  	[sflag:s22] =	ssyncset.done $0x0  }
0x81: {  	[sflag:s22] =	ssyncadd.s32 $0xFFFFC000  }
0x82: {  	_ =	sfence.sel $0x180000  }
0x83: {  	[bflag:$0x0] =	sbarrier.arrive $0xFFFF  }
0x84: {  	_ =	strace $0x90000047  }
0x85: {  	s0 =	sadd.s32 @!p0 $0x100000, s1;
	[bflag:$0x2] =	sbarrier.arrive $0xFFFF  }
0x86: {  	[sflag:s0] =	ssyncadd.tile.s32 @!p0 $0x1;
	_ =	shalt  }
.Lfunc_end2:
_tile_overlayer_lowered:
.L_overlay_start_2:
0x87: {  	(tag) =	ssettag $0x2  }
0x88: {  	s0 =	rddreg [dreg:$0x0];
	s2 =	stileid.u32  }
0x89: {  	s1 =	rddreg [dreg:$0x1];
	p0 =	sne.s32 s2, $0x0  }
0x8a: {  	s3 =	rddreg [dreg:$0x2];
	[bflag:$0x3] =	sbarrier.arrive $0xFFFF;
	s2 =	simm.s32 @!p0 $0x1C03  }
0x8b: {  	[timem:s3], [sflag:s2] =	dma.local @!p0 [hbm:s0], s1  }
0x8c: {  	s0 =	simm.s32 @!p0 $0x3  }
0x8d: {  	_ =	swait.ge @!p0 [sflag:s0], s1  }
0x8e: {  	s1 =	ssub.s32 @!p0 $0x0, s1;
	[sflag:s0] =	ssyncset.done @!p0 $0x0  }
0x8f: {  	[sflag:s0] =	ssyncadd.s32 @!p0 s1  }
0x90: {  	[bflag:$0x3] =	sbarrier.arrive $0xFFFF  }
0x91: {  	_ =	shalt  }

</sc_bundles>
